<compile_context>
chip_gen: v7x
topology: tpu7x:2x2x1
jax: 0.10.2.dev20260603
libtpu: 0.0.44.dev20260713+nightly
codegen_flags: <defaults>
</compile_context>

<pallas_src>
import functools

import jax
import jax.numpy as jnp
from jax import lax
from jax.experimental import pallas as pl
from jax.experimental.pallas import tpu as pltpu
from jax.experimental.pallas import tpu_sc as plsc

B = 1024
N = 100000

NC, NS, L = 2, 16, 16
NW = NC * NS
BPW = B // NW
NROWS16 = (B * N) // L


def _sc_gather_body(xflat_hbm, tgt_hbm, v_hbm, tgt_v, idx_v, val_v, sem):
    wid = lax.axis_index("s") * NC + lax.axis_index("c")
    base = wid * BPW
    pltpu.sync_copy(tgt_hbm.at[pl.ds(base, BPW)], tgt_v)
    for c in range(BPW // L):
        t = tgt_v[pl.ds(c * L, L)]
        row_id = base + c * L + lax.broadcasted_iota(jnp.int32, (L,), 0)
        idx_v[pl.ds(c * L, L)] = row_id * N + t
    pltpu.async_copy(xflat_hbm.at[idx_v], val_v, sem).wait()
    pltpu.sync_copy(val_v, v_hbm.at[pl.ds(base, BPW)])


def _make_sc_gather():
    return functools.partial(
        pl.kernel,
        mesh=plsc.VectorSubcoreMesh(core_axis_name="c", subcore_axis_name="s"),
        out_type=jax.ShapeDtypeStruct((B,), jnp.float32),
        scratch_types=[
            pltpu.VMEM((BPW,), jnp.int32),
            pltpu.VMEM((BPW,), jnp.int32),
            pltpu.VMEM((BPW,), jnp.float32),
            pltpu.SemaphoreType.DMA,
        ],
    )(_sc_gather_body)


CH = 8
NBUF = 8
NCHUNK = B // CH
GROUPS = NCHUNK // NBUF
SCALE = 100.0 / B


def _stream_body(x_hbm, v_ref, t_ref, c1_ref, c5_ref, rank_v, *bufs_sems):
    bufs = bufs_sems[:NBUF]
    sems = bufs_sems[NBUF:]

    def dma(b, c):
        return pltpu.make_async_copy(
            x_hbm.at[pl.ds(c * CH, CH), :], bufs[b], sems[b])

    for b in range(NBUF):
        dma(b, b).start()

    def group(g, carry):
        for b in range(NBUF):
            c = g * NBUF + b
            dma(b, c).wait()
            x = bufs[b][...]
            base = c * CH
            v = v_ref[pl.ds(base, CH), :]
            t = t_ref[pl.ds(base, CH), :]
            col = lax.broadcasted_iota(jnp.int32, (CH, N), 1)
            beats = (x > v) | ((x == v) & (col < t))
            rank_v[pl.ds(base, CH), :] = jnp.sum(
                jnp.where(beats, 1, 0), axis=1, keepdims=True)

            @pl.when(g < GROUPS - 1)
            def _next():
                dma(b, (g + 1) * NBUF + b).start()
        return carry

    lax.fori_loop(0, GROUPS, group, 0)
    rank = rank_v[...]
    c1_ref[0, 0] = jnp.sum(jnp.where(rank < 1, SCALE, 0.0))
    c5_ref[0, 0] = jnp.sum(jnp.where(rank < 5, SCALE, 0.0))


_stream = pl.pallas_call(
    _stream_body,
    in_specs=[
        pl.BlockSpec(memory_space=pl.ANY),
        pl.BlockSpec(memory_space=pltpu.VMEM),
        pl.BlockSpec(memory_space=pltpu.VMEM),
    ],
    out_specs=[
        pl.BlockSpec(memory_space=pltpu.SMEM),
        pl.BlockSpec(memory_space=pltpu.SMEM),
    ],
    out_shape=[jax.ShapeDtypeStruct((1, 1), jnp.float32)] * 2,
    scratch_shapes=([pltpu.VMEM((B, 1), jnp.int32)]
                    + [pltpu.VMEM((CH, N), jnp.float32)] * NBUF
                    + [pltpu.SemaphoreType.DMA] * NBUF),
)


def kernel(outputs, targets):
    tgt = targets.astype(jnp.int32)
    xflat = outputs.reshape(B * N)
    v = _make_sc_gather()(xflat, tgt)
    c1, c5 = _stream(outputs, v.reshape(B, 1), tgt.reshape(B, 1))
    return (c1.reshape(1), c5.reshape(1))

# --- scband reference (transcript-rebuilt; emitter-appended) ---
"""Pipeline reference for scband-accuracy-25280177504471 (READ-ONLY COPY).

The authoritative reference and input builder live on the scoring server;
editing this copy changes nothing except your own understanding.
"""

import jax, jax.numpy as jnp
import numpy as np

TOPK = (1, 5)

def setup_inputs(seed: int = 0) -> dict:
    key = jax.random.key(seed)
    k1, k2 = jax.random.split(key)
    outputs = jax.random.normal(k1, (1024, 100000), dtype=jnp.float32)
    targets = jax.random.randint(k2, (1024,), 0, 100000, dtype=jnp.int64)
    return {"outputs": outputs, "targets": targets}

def reference(outputs, targets):
    maxk = max(TOPK)
    batch_size = targets.shape[0]
    # torch: _, pred = outputs.topk(maxk, 1, True, True)
    _, pred = jax.lax.top_k(outputs, maxk)  # [B, maxk], sorted descending
    pred = pred.T  # [maxk, B]
    correct = pred == jnp.reshape(targets, (1, -1))  # broadcast over rows
    res = []
    for k in TOPK:
        correct_k = correct[:k].reshape(-1).astype(jnp.float32).sum(keepdims=True)
        res.append(correct_k * (100.0 / batch_size))
    return tuple(res)

if __name__ == "__main__":
    import jax
    _d = setup_inputs()
    print(jax.jit(kernel)(*tuple(_d.values())))

</pallas_src>

<mosaic_0001>
#map = affine_map<(d0, d1) -> (0)>
module attributes {stable_mosaic.version = 14 : i64} {
  func.func @_sc_gather_body(%arg0: i32, %arg1: i32, %arg2: memref<102400000xf32, #tpu.memory_space<hbm>>, %arg3: memref<1024xi32, #tpu.memory_space<hbm>>, %arg4: memref<1024xf32, #tpu.memory_space<hbm>>, %arg5: memref<32xi32, #tpu.memory_space<vmem>>, %arg6: memref<32xi32, #tpu.memory_space<vmem>>, %arg7: memref<32xf32, #tpu.memory_space<vmem>>, %arg8: memref<!tpu.dma_semaphore, #tpu.memory_space<semaphore_mem>>) attributes {dimension_semantics = [#tpu.dimension_semantics<core_parallel>, #tpu.dimension_semantics<subcore_parallel>], iteration_bounds = array<i64: 2, 16>, scalar_prefetch = 0 : i64, scratch_operands = 4 : i64, tpu.core_type = #tpu.core_type<sc_vector_subcore>, window_params = [{transform_indices = #map}, {transform_indices = #map}, {transform_indices = #map}]} {
    %mul3A = arith.constant 2 : i32
    %mul3A_0 = arith.muli %arg1, %mul3A : i32
    %add3A = arith.addi %mul3A_0, %arg0 : i32
    %mul3A_1 = arith.constant 32 : i32
    %mul3A_2 = arith.muli %add3A, %mul3A_1 : i32
    "tpu.region"() ({
      %run_scoped3A = tpu.sem_alloc : memref<!tpu.dma_semaphore, #tpu.memory_space<semaphore_mem>>
      %dma_start3A_34 = tpu.memref_slice %arg3[%mul3A_2] : memref<1024xi32, #tpu.memory_space<hbm>> -> memref<32xi32, #tpu.memory_space<hbm>>
      %dma_start3A_35 = tpu.memref_slice %arg3[%mul3A_2] : memref<1024xi32, #tpu.memory_space<hbm>> -> memref<32xi32, #tpu.memory_space<hbm>>
      tpu.enqueue_dma source(%dma_start3A_35 : memref<32xi32, #tpu.memory_space<hbm>>) target(%arg5 : memref<32xi32, #tpu.memory_space<vmem>>) target_semaphore(%run_scoped3A : memref<!tpu.dma_semaphore, #tpu.memory_space<semaphore_mem>>)
      %dma_wait3A_36 = tpu.memref_slice %arg3[%mul3A_2] : memref<1024xi32, #tpu.memory_space<hbm>> -> memref<32xi32, #tpu.memory_space<hbm>>
      %dma_wait3A_37 = tpu.memref_slice %arg3[%mul3A_2] : memref<1024xi32, #tpu.memory_space<hbm>> -> memref<32xi32, #tpu.memory_space<hbm>>
      tpu.wait_dma2 semaphore(%run_scoped3A : memref<!tpu.dma_semaphore, #tpu.memory_space<semaphore_mem>>) src(%dma_wait3A_37 : memref<32xi32, #tpu.memory_space<hbm>>) dst(%arg5 : memref<32xi32, #tpu.memory_space<vmem>>)
      tpu.yield
    }) : () -> ()
    %get3A = arith.constant 0 : index
    %get3A_3 = tpu.vector_load %arg5[%get3A] {strides = array<i32>} : memref<32xi32, #tpu.memory_space<vmem>>, vector<16xi32>,
    %get3A_4 = vector.shape_cast %get3A_3 : vector<16xi32> to vector<16xi32>
    %add3A_5 = arith.constant 0 : i32
    %add3A_6 = arith.addi %mul3A_2, %add3A_5 : i32
    %iota3A = tpu.iota {dimensions = array<i32: 0>} : vector<16xi32>
    %add3A_7 = vector.broadcast %add3A_6 : i32 to vector<16xi32>
    %add3A_8 = arith.addi %add3A_7, %iota3A : vector<16xi32>
    %mul3A_9 = arith.constant 100000 : i32
    %mul3A_10 = vector.broadcast %mul3A_9 : i32 to vector<16xi32>
    %mul3A_11 = arith.muli %add3A_8, %mul3A_10 : vector<16xi32>
    %add3A_12 = arith.addi %mul3A_11, %get3A_4 : vector<16xi32>
    %swap3A = arith.constant 0 : index
    %swap3A_13 = tpu.vector_load %arg6[%swap3A] {strides = array<i32>} : memref<32xi32, #tpu.memory_space<vmem>>, vector<16xi32>,
    %swap3A_14 = vector.shape_cast %swap3A_13 : vector<16xi32> to vector<16xi32>
    %swap3A_15 = vector.shape_cast %add3A_12 : vector<16xi32> to vector<16xi32>
    tpu.vector_store %arg6[%swap3A], %swap3A_15 {strides = array<i32>} : memref<32xi32, #tpu.memory_space<vmem>>, vector<16xi32>,
    %get3A_16 = arith.constant 16 : index
    %get3A_17 = tpu.vector_load %arg5[%get3A_16] {strides = array<i32>} : memref<32xi32, #tpu.memory_space<vmem>>, vector<16xi32>,
    %get3A_18 = vector.shape_cast %get3A_17 : vector<16xi32> to vector<16xi32>
    %add3A_19 = arith.constant 16 : i32
    %add3A_20 = arith.addi %mul3A_2, %add3A_19 : i32
    %iota3A_21 = tpu.iota {dimensions = array<i32: 0>} : vector<16xi32>
    %add3A_22 = vector.broadcast %add3A_20 : i32 to vector<16xi32>
    %add3A_23 = arith.addi %add3A_22, %iota3A_21 : vector<16xi32>
    %mul3A_24 = arith.constant 100000 : i32
    %mul3A_25 = vector.broadcast %mul3A_24 : i32 to vector<16xi32>
    %mul3A_26 = arith.muli %add3A_23, %mul3A_25 : vector<16xi32>
    %add3A_27 = arith.addi %mul3A_26, %get3A_18 : vector<16xi32>
    %swap3A_28 = arith.constant 16 : index
    %swap3A_29 = tpu.vector_load %arg6[%swap3A_28] {strides = array<i32>} : memref<32xi32, #tpu.memory_space<vmem>>, vector<16xi32>,
    %swap3A_30 = vector.shape_cast %swap3A_29 : vector<16xi32> to vector<16xi32>
    %swap3A_31 = vector.shape_cast %add3A_27 : vector<16xi32> to vector<16xi32>
    tpu.vector_store %arg6[%swap3A_28], %swap3A_31 {strides = array<i32>} : memref<32xi32, #tpu.memory_space<vmem>>, vector<16xi32>,
    %dma_start3A = arith.constant 0 : i32
    %dma_start3A_32 = tpu.memref_slice %arg2[%dma_start3A] : memref<102400000xf32, #tpu.memory_space<hbm>> -> memref<102400000xf32, #tpu.memory_space<hbm>>
    tpu.enqueue_indirect_dma source(%dma_start3A_32 : memref<102400000xf32, #tpu.memory_space<hbm>>) target(%arg7 : memref<32xf32, #tpu.memory_space<vmem>>) offsets(%arg6 : memref<32xi32, #tpu.memory_space<vmem>>) semaphore(%arg8 : memref<!tpu.dma_semaphore, #tpu.memory_space<semaphore_mem>>)
    %dma_wait3A = arith.constant 0 : i32
    %dma_wait3A_33 = tpu.memref_slice %arg2[%dma_wait3A] : memref<102400000xf32, #tpu.memory_space<hbm>> -> memref<102400000xf32, #tpu.memory_space<hbm>>
    tpu.wait_indirect_dma semaphore(%arg8 : memref<!tpu.dma_semaphore, #tpu.memory_space<semaphore_mem>>) src(%dma_wait3A_33 : memref<102400000xf32, #tpu.memory_space<hbm>>) dst(%arg7 : memref<32xf32, #tpu.memory_space<vmem>>)
    "tpu.region"() ({
      %run_scoped3A = tpu.sem_alloc : memref<!tpu.dma_semaphore, #tpu.memory_space<semaphore_mem>>
      %dma_start3A_34 = tpu.memref_slice %arg4[%mul3A_2] : memref<1024xf32, #tpu.memory_space<hbm>> -> memref<32xf32, #tpu.memory_space<hbm>>
      %dma_start3A_35 = tpu.memref_slice %arg4[%mul3A_2] : memref<1024xf32, #tpu.memory_space<hbm>> -> memref<32xf32, #tpu.memory_space<hbm>>
      tpu.enqueue_dma source(%arg7 : memref<32xf32, #tpu.memory_space<vmem>>) target(%dma_start3A_35 : memref<32xf32, #tpu.memory_space<hbm>>) target_semaphore(%run_scoped3A : memref<!tpu.dma_semaphore, #tpu.memory_space<semaphore_mem>>)
      %dma_wait3A_36 = tpu.memref_slice %arg4[%mul3A_2] : memref<1024xf32, #tpu.memory_space<hbm>> -> memref<32xf32, #tpu.memory_space<hbm>>
      %dma_wait3A_37 = tpu.memref_slice %arg4[%mul3A_2] : memref<1024xf32, #tpu.memory_space<hbm>> -> memref<32xf32, #tpu.memory_space<hbm>>
      tpu.wait_dma2 semaphore(%run_scoped3A : memref<!tpu.dma_semaphore, #tpu.memory_space<semaphore_mem>>) src(%arg7 : memref<32xf32, #tpu.memory_space<vmem>>) dst(%dma_wait3A_37 : memref<32xf32, #tpu.memory_space<hbm>>)
      tpu.yield
    }) : () -> ()
    return
  }
}

module attributes {stable_mosaic.version = 14 : i64} {
  func.func @_stream_body(%arg0: memref<1024x100000xf32, #tpu.memory_space<any>>, %arg1: memref<1024x1xf32, #tpu.memory_space<vmem>>, %arg2: memref<1024x1xi32, #tpu.memory_space<vmem>>, %arg3: memref<1x1xf32, #tpu.memory_space<smem>>, %arg4: memref<1x1xf32, #tpu.memory_space<smem>>, %arg5: memref<1024x1xi32, #tpu.memory_space<vmem>>, %arg6: memref<8x100000xf32, #tpu.memory_space<vmem>>, %arg7: memref<8x100000xf32, #tpu.memory_space<vmem>>, %arg8: memref<8x100000xf32, #tpu.memory_space<vmem>>, %arg9: memref<8x100000xf32, #tpu.memory_space<vmem>>, %arg10: memref<8x100000xf32, #tpu.memory_space<vmem>>, %arg11: memref<8x100000xf32, #tpu.memory_space<vmem>>, %arg12: memref<8x100000xf32, #tpu.memory_space<vmem>>, %arg13: memref<8x100000xf32, #tpu.memory_space<vmem>>, %arg14: memref<!tpu.dma_semaphore, #tpu.memory_space<semaphore_mem>>, %arg15: memref<!tpu.dma_semaphore, #tpu.memory_space<semaphore_mem>>, %arg16: memref<!tpu.dma_semaphore, #tpu.memory_space<semaphore_mem>>, %arg17: memref<!tpu.dma_semaphore, #tpu.memory_space<semaphore_mem>>, %arg18: memref<!tpu.dma_semaphore, #tpu.memory_space<semaphore_mem>>, %arg19: memref<!tpu.dma_semaphore, #tpu.memory_space<semaphore_mem>>, %arg20: memref<!tpu.dma_semaphore, #tpu.memory_space<semaphore_mem>>, %arg21: memref<!tpu.dma_semaphore, #tpu.memory_space<semaphore_mem>>) attributes {dimension_semantics = [], scalar_prefetch = 0 : i64, scratch_operands = 17 : i64, tpu.core_type = #tpu.core_type<tc>} {
    %dma_start3A = arith.constant 0 : i32
    %dma_start3A_0 = arith.constant 0 : i32
    %dma_start3A_1 = tpu.memref_slice %arg0[%dma_start3A, %dma_start3A_0] : memref<1024x100000xf32, #tpu.memory_space<any>> -> memref<8x100000xf32, #tpu.memory_space<any>>
    tpu.enqueue_dma source(%dma_start3A_1 : memref<8x100000xf32, #tpu.memory_space<any>>) target(%arg6 : memref<8x100000xf32, #tpu.memory_space<vmem>>) target_semaphore(%arg14 : memref<!tpu.dma_semaphore, #tpu.memory_space<semaphore_mem>>)
    %dma_start3A_2 = arith.constant 8 : i32
    %dma_start3A_3 = arith.constant 0 : i32
    %dma_start3A_4 = tpu.memref_slice %arg0[%dma_start3A_2, %dma_start3A_3] : memref<1024x100000xf32, #tpu.memory_space<any>> -> memref<8x100000xf32, #tpu.memory_space<any>>
    tpu.enqueue_dma source(%dma_start3A_4 : memref<8x100000xf32, #tpu.memory_space<any>>) target(%arg7 : memref<8x100000xf32, #tpu.memory_space<vmem>>) target_semaphore(%arg15 : memref<!tpu.dma_semaphore, #tpu.memory_space<semaphore_mem>>)
    %dma_start3A_5 = arith.constant 16 : i32
    %dma_start3A_6 = arith.constant 0 : i32
    %dma_start3A_7 = tpu.memref_slice %arg0[%dma_start3A_5, %dma_start3A_6] : memref<1024x100000xf32, #tpu.memory_space<any>> -> memref<8x100000xf32, #tpu.memory_space<any>>
    tpu.enqueue_dma source(%dma_start3A_7 : memref<8x100000xf32, #tpu.memory_space<any>>) target(%arg8 : memref<8x100000xf32, #tpu.memory_space<vmem>>) target_semaphore(%arg16 : memref<!tpu.dma_semaphore, #tpu.memory_space<semaphore_mem>>)
    %dma_start3A_8 = arith.constant 24 : i32
    %dma_start3A_9 = arith.constant 0 : i32
    %dma_start3A_10 = tpu.memref_slice %arg0[%dma_start3A_8, %dma_start3A_9] : memref<1024x100000xf32, #tpu.memory_space<any>> -> memref<8x100000xf32, #tpu.memory_space<any>>
    tpu.enqueue_dma source(%dma_start3A_10 : memref<8x100000xf32, #tpu.memory_space<any>>) target(%arg9 : memref<8x100000xf32, #tpu.memory_space<vmem>>) target_semaphore(%arg17 : memref<!tpu.dma_semaphore, #tpu.memory_space<semaphore_mem>>)
    %dma_start3A_11 = arith.constant 32 : i32
    %dma_start3A_12 = arith.constant 0 : i32
    %dma_start3A_13 = tpu.memref_slice %arg0[%dma_start3A_11, %dma_start3A_12] : memref<1024x100000xf32, #tpu.memory_space<any>> -> memref<8x100000xf32, #tpu.memory_space<any>>
    tpu.enqueue_dma source(%dma_start3A_13 : memref<8x100000xf32, #tpu.memory_space<any>>) target(%arg10 : memref<8x100000xf32, #tpu.memory_space<vmem>>) target_semaphore(%arg18 : memref<!tpu.dma_semaphore, #tpu.memory_space<semaphore_mem>>)
    %dma_start3A_14 = arith.constant 40 : i32
    %dma_start3A_15 = arith.constant 0 : i32
    %dma_start3A_16 = tpu.memref_slice %arg0[%dma_start3A_14, %dma_start3A_15] : memref<1024x100000xf32, #tpu.memory_space<any>> -> memref<8x100000xf32, #tpu.memory_space<any>>
    tpu.enqueue_dma source(%dma_start3A_16 : memref<8x100000xf32, #tpu.memory_space<any>>) target(%arg11 : memref<8x100000xf32, #tpu.memory_space<vmem>>) target_semaphore(%arg19 : memref<!tpu.dma_semaphore, #tpu.memory_space<semaphore_mem>>)
    %dma_start3A_17 = arith.constant 48 : i32
    %dma_start3A_18 = arith.constant 0 : i32
    %dma_start3A_19 = tpu.memref_slice %arg0[%dma_start3A_17, %dma_start3A_18] : memref<1024x100000xf32, #tpu.memory_space<any>> -> memref<8x100000xf32, #tpu.memory_space<any>>
    tpu.enqueue_dma source(%dma_start3A_19 : memref<8x100000xf32, #tpu.memory_space<any>>) target(%arg12 : memref<8x100000xf32, #tpu.memory_space<vmem>>) target_semaphore(%arg20 : memref<!tpu.dma_semaphore, #tpu.memory_space<semaphore_mem>>)
    %dma_start3A_20 = arith.constant 56 : i32
    %dma_start3A_21 = arith.constant 0 : i32
    %dma_start3A_22 = tpu.memref_slice %arg0[%dma_start3A_20, %dma_start3A_21] : memref<1024x100000xf32, #tpu.memory_space<any>> -> memref<8x100000xf32, #tpu.memory_space<any>>
    tpu.enqueue_dma source(%dma_start3A_22 : memref<8x100000xf32, #tpu.memory_space<any>>) target(%arg13 : memref<8x100000xf32, #tpu.memory_space<vmem>>) target_semaphore(%arg21 : memref<!tpu.dma_semaphore, #tpu.memory_space<semaphore_mem>>)
    %scan3A = arith.constant 0 : i32
    %scan3A_23 = arith.constant 16 : i32
    %scan3A_24 = arith.addi %scan3A, %scan3A_23 : i32
    %scan3A_25 = arith.constant 1 : i32
    scf.for %scan3A_55 = %scan3A to %scan3A_24 step %scan3A_25  : i32 {
      %mul3A = arith.constant 8 : i32
      %mul3A_56 = arith.muli %scan3A_55, %mul3A : i32
      %add3A = arith.constant 0 : i32
      %add3A_57 = arith.addi %mul3A_56, %add3A : i32
      %mul3A_58 = arith.constant 8 : i32
      %mul3A_59 = arith.muli %add3A_57, %mul3A_58 : i32
      %dma_wait3A = arith.constant 0 : i32
      %dma_wait3A_60 = tpu.memref_slice %arg0[%mul3A_59, %dma_wait3A] : memref<1024x100000xf32, #tpu.memory_space<any>> -> memref<8x100000xf32, #tpu.memory_space<any>>
      tpu.wait_dma2 semaphore(%arg14 : memref<!tpu.dma_semaphore, #tpu.memory_space<semaphore_mem>>) src(%dma_wait3A_60 : memref<8x100000xf32, #tpu.memory_space<any>>) dst(%arg6 : memref<8x100000xf32, #tpu.memory_space<vmem>>)
      %get3A_61 = arith.constant 0 : index
      %get3A_62 = arith.constant 0 : index
      %get3A_63 = vector.load %arg6[%get3A_61, %get3A_62] : memref<8x100000xf32, #tpu.memory_space<vmem>>, vector<8x100000xf32>
      %mul3A_64 = arith.constant 8 : i32
      %mul3A_65 = arith.muli %add3A_57, %mul3A_64 : i32
      %get3A_66 = arith.index_cast %mul3A_65 : i32 to index
      %get3A_67 = arith.constant 0 : index
      %get3A_68 = vector.load %arg1[%get3A_66, %get3A_67] : memref<1024x1xf32, #tpu.memory_space<vmem>>, vector<8x1xf32>
      %get3A_69 = arith.index_cast %mul3A_65 : i32 to index
      %get3A_70 = arith.constant 0 : index
      %get3A_71 = vector.load %arg2[%get3A_69, %get3A_70] : memref<1024x1xi32, #tpu.memory_space<vmem>>, vector<8x1xi32>
      %iota3A = tpu.iota {dimensions = array<i32: 1>} : vector<8x100000xi32>
      %gt3A = vector.broadcast %get3A_68 : vector<8x1xf32> to vector<8x100000xf32>
      %gt3A_72 = arith.cmpf ogt, %get3A_63, %gt3A : vector<8x100000xf32>
      %eq3A = vector.broadcast %get3A_68 : vector<8x1xf32> to vector<8x100000xf32>
      %eq3A_73 = arith.cmpf oeq, %get3A_63, %eq3A : vector<8x100000xf32>
      %lt3A_74 = vector.broadcast %get3A_71 : vector<8x1xi32> to vector<8x100000xi32>
      %lt3A_75 = arith.cmpi slt, %iota3A, %lt3A_74 : vector<8x100000xi32>
      %and3A = arith.andi %eq3A_73, %lt3A_75 : vector<8x100000xi1>
      %or3A = arith.ori %gt3A_72, %and3A : vector<8x100000xi1>
      %jit3A_76 = arith.constant 1 : i32
      %jit3A_77 = arith.constant 0 : i32
      %broadcast_in_dim3A_78 = vector.broadcast %jit3A_76 : i32 to vector<8x100000xi32>
      %broadcast_in_dim3A_79 = vector.broadcast %jit3A_77 : i32 to vector<8x100000xi32>
      %select_n3A_80 = arith.select %or3A, %broadcast_in_dim3A_78, %broadcast_in_dim3A_79 : vector<8x100000xi1>, vector<8x100000xi32>
      %reduce_sum3A_81 = arith.constant dense<0> : vector<8xi32>
      %reduce_sum3A_82 = vector.multi_reduction <add>, %select_n3A_80, %reduce_sum3A_81 [1] : vector<8x100000xi32> to vector<8xi32>
      %broadcast_in_dim3A_83 = vector.shape_cast %reduce_sum3A_82 : vector<8xi32> to vector<8x1xi32>
      %swap3A_84 = arith.index_cast %mul3A_65 : i32 to index
      %swap3A_85 = arith.constant 0 : index
      %swap3A_86 = vector.load %arg5[%swap3A_84, %swap3A_85] : memref<1024x1xi32, #tpu.memory_space<vmem>>, vector<8x1xi32>
      tpu.vector_store %arg5[%swap3A_84, %swap3A_85], %broadcast_in_dim3A_83 {strides = array<i32>} : memref<1024x1xi32, #tpu.memory_space<vmem>>, vector<8x1xi32>,
      %lt3A_87 = arith.constant 15 : i32
      %lt3A_88 = arith.cmpi slt, %scan3A_55, %lt3A_87 : i32
      %convert_element_type3A = arith.extui %lt3A_88 : i1 to i32
      %cond3A = arith.constant 0 : i32
      %cond3A_89 = arith.cmpi ne, %convert_element_type3A, %cond3A : i32
      scf.if %cond3A_89 {
        %add3A_398 = arith.constant 1 : i32
        %add3A_399 = arith.addi %scan3A_55, %add3A_398 : i32
        %mul3A_400 = arith.constant 8 : i32
        %mul3A_401 = arith.muli %add3A_399, %mul3A_400 : i32
        %add3A_402 = arith.constant 0 : i32
        %add3A_403 = arith.addi %mul3A_401, %add3A_402 : i32
        %mul3A_404 = arith.constant 8 : i32
        %mul3A_405 = arith.muli %add3A_403, %mul3A_404 : i32
        %dma_start3A_406 = arith.constant 0 : i32
        %dma_start3A_407 = tpu.memref_slice %arg0[%mul3A_405, %dma_start3A_406] : memref<1024x100000xf32, #tpu.memory_space<any>> -> memref<8x100000xf32, #tpu.memory_space<any>>
        tpu.enqueue_dma source(%dma_start3A_407 : memref<8x100000xf32, #tpu.memory_space<any>>) target(%arg6 : memref<8x100000xf32, #tpu.memory_space<vmem>>) target_semaphore(%arg14 : memref<!tpu.dma_semaphore, #tpu.memory_space<semaphore_mem>>)
      } else {
      }
      %mul3A_90 = arith.constant 8 : i32
      %mul3A_91 = arith.muli %scan3A_55, %mul3A_90 : i32
      %add3A_92 = arith.constant 1 : i32
      %add3A_93 = arith.addi %mul3A_91, %add3A_92 : i32
      %mul3A_94 = arith.constant 8 : i32
      %mul3A_95 = arith.muli %add3A_93, %mul3A_94 : i32
      %dma_wait3A_96 = arith.constant 0 : i32
      %dma_wait3A_97 = tpu.memref_slice %arg0[%mul3A_95, %dma_wait3A_96] : memref<1024x100000xf32, #tpu.memory_space<any>> -> memref<8x100000xf32, #tpu.memory_space<any>>
      tpu.wait_dma2 semaphore(%arg15 : memref<!tpu.dma_semaphore, #tpu.memory_space<semaphore_mem>>) src(%dma_wait3A_97 : memref<8x100000xf32, #tpu.memory_space<any>>) dst(%arg7 : memref<8x100000xf32, #tpu.memory_space<vmem>>)
      %get3A_98 = arith.constant 0 : index
      %get3A_99 = arith.constant 0 : index
      %get3A_100 = vector.load %arg7[%get3A_98, %get3A_99] : memref<8x100000xf32, #tpu.memory_space<vmem>>, vector<8x100000xf32>
      %mul3A_101 = arith.constant 8 : i32
      %mul3A_102 = arith.muli %add3A_93, %mul3A_101 : i32
      %get3A_103 = arith.index_cast %mul3A_102 : i32 to index
      %get3A_104 = arith.constant 0 : index
      %get3A_105 = vector.load %arg1[%get3A_103, %get3A_104] : memref<1024x1xf32, #tpu.memory_space<vmem>>, vector<8x1xf32>
      %get3A_106 = arith.index_cast %mul3A_102 : i32 to index
      %get3A_107 = arith.constant 0 : index
      %get3A_108 = vector.load %arg2[%get3A_106, %get3A_107] : memref<1024x1xi32, #tpu.memory_space<vmem>>, vector<8x1xi32>
      %iota3A_109 = tpu.iota {dimensions = array<i32: 1>} : vector<8x100000xi32>
      %gt3A_110 = vector.broadcast %get3A_105 : vector<8x1xf32> to vector<8x100000xf32>
      %gt3A_111 = arith.cmpf ogt, %get3A_100, %gt3A_110 : vector<8x100000xf32>
      %eq3A_112 = vector.broadcast %get3A_105 : vector<8x1xf32> to vector<8x100000xf32>
      %eq3A_113 = arith.cmpf oeq, %get3A_100, %eq3A_112 : vector<8x100000xf32>
      %lt3A_114 = vector.broadcast %get3A_108 : vector<8x1xi32> to vector<8x100000xi32>
      %lt3A_115 = arith.cmpi slt, %iota3A_109, %lt3A_114 : vector<8x100000xi32>
      %and3A_116 = arith.andi %eq3A_113, %lt3A_115 : vector<8x100000xi1>
      %or3A_117 = arith.ori %gt3A_111, %and3A_116 : vector<8x100000xi1>
      %jit3A_118 = arith.constant 1 : i32
      %jit3A_119 = arith.constant 0 : i32
      %broadcast_in_dim3A_120 = vector.broadcast %jit3A_118 : i32 to vector<8x100000xi32>
      %broadcast_in_dim3A_121 = vector.broadcast %jit3A_119 : i32 to vector<8x100000xi32>
      %select_n3A_122 = arith.select %or3A_117, %broadcast_in_dim3A_120, %broadcast_in_dim3A_121 : vector<8x100000xi1>, vector<8x100000xi32>
      %reduce_sum3A_123 = arith.constant dense<0> : vector<8xi32>
      %reduce_sum3A_124 = vector.multi_reduction <add>, %select_n3A_122, %reduce_sum3A_123 [1] : vector<8x100000xi32> to vector<8xi32>
      %broadcast_in_dim3A_125 = vector.shape_cast %reduce_sum3A_124 : vector<8xi32> to vector<8x1xi32>
      %swap3A_126 = arith.index_cast %mul3A_102 : i32 to index
      %swap3A_127 = arith.constant 0 : index
      %swap3A_128 = vector.load %arg5[%swap3A_126, %swap3A_127] : memref<1024x1xi32, #tpu.memory_space<vmem>>, vector<8x1xi32>
      tpu.vector_store %arg5[%swap3A_126, %swap3A_127], %broadcast_in_dim3A_125 {strides = array<i32>} : memref<1024x1xi32, #tpu.memory_space<vmem>>, vector<8x1xi32>,
      %lt3A_129 = arith.constant 15 : i32
      %lt3A_130 = arith.cmpi slt, %scan3A_55, %lt3A_129 : i32
      %convert_element_type3A_131 = arith.extui %lt3A_130 : i1 to i32
      %cond3A_132 = arith.constant 0 : i32
      %cond3A_133 = arith.cmpi ne, %convert_element_type3A_131, %cond3A_132 : i32
      scf.if %cond3A_133 {
        %add3A_398 = arith.constant 1 : i32
        %add3A_399 = arith.addi %scan3A_55, %add3A_398 : i32
        %mul3A_400 = arith.constant 8 : i32
        %mul3A_401 = arith.muli %add3A_399, %mul3A_400 : i32
        %add3A_402 = arith.constant 1 : i32
        %add3A_403 = arith.addi %mul3A_401, %add3A_402 : i32
        %mul3A_404 = arith.constant 8 : i32
        %mul3A_405 = arith.muli %add3A_403, %mul3A_404 : i32
        %dma_start3A_406 = arith.constant 0 : i32
        %dma_start3A_407 = tpu.memref_slice %arg0[%mul3A_405, %dma_start3A_406] : memref<1024x100000xf32, #tpu.memory_space<any>> -> memref<8x100000xf32, #tpu.memory_space<any>>
        tpu.enqueue_dma source(%dma_start3A_407 : memref<8x100000xf32, #tpu.memory_space<any>>) target(%arg7 : memref<8x100000xf32, #tpu.memory_space<vmem>>) target_semaphore(%arg15 : memref<!tpu.dma_semaphore, #tpu.memory_space<semaphore_mem>>)
      } else {
      }
      %mul3A_134 = arith.constant 8 : i32
      %mul3A_135 = arith.muli %scan3A_55, %mul3A_134 : i32
      %add3A_136 = arith.constant 2 : i32
      %add3A_137 = arith.addi %mul3A_135, %add3A_136 : i32
      %mul3A_138 = arith.constant 8 : i32
      %mul3A_139 = arith.muli %add3A_137, %mul3A_138 : i32
      %dma_wait3A_140 = arith.constant 0 : i32
      %dma_wait3A_141 = tpu.memref_slice %arg0[%mul3A_139, %dma_wait3A_140] : memref<1024x100000xf32, #tpu.memory_space<any>> -> memref<8x100000xf32, #tpu.memory_space<any>>
      tpu.wait_dma2 semaphore(%arg16 : memref<!tpu.dma_semaphore, #tpu.memory_space<semaphore_mem>>) src(%dma_wait3A_141 : memref<8x100000xf32, #tpu.memory_space<any>>) dst(%arg8 : memref<8x100000xf32, #tpu.memory_space<vmem>>)
      %get3A_142 = arith.constant 0 : index
      %get3A_143 = arith.constant 0 : index
      %get3A_144 = vector.load %arg8[%get3A_142, %get3A_143] : memref<8x100000xf32, #tpu.memory_space<vmem>>, vector<8x100000xf32>
      %mul3A_145 = arith.constant 8 : i32
      %mul3A_146 = arith.muli %add3A_137, %mul3A_145 : i32
      %get3A_147 = arith.index_cast %mul3A_146 : i32 to index
      %get3A_148 = arith.constant 0 : index
      %get3A_149 = vector.load %arg1[%get3A_147, %get3A_148] : memref<1024x1xf32, #tpu.memory_space<vmem>>, vector<8x1xf32>
      %get3A_150 = arith.index_cast %mul3A_146 : i32 to index
      %get3A_151 = arith.constant 0 : index
      %get3A_152 = vector.load %arg2[%get3A_150, %get3A_151] : memref<1024x1xi32, #tpu.memory_space<vmem>>, vector<8x1xi32>
      %iota3A_153 = tpu.iota {dimensions = array<i32: 1>} : vector<8x100000xi32>
      %gt3A_154 = vector.broadcast %get3A_149 : vector<8x1xf32> to vector<8x100000xf32>
      %gt3A_155 = arith.cmpf ogt, %get3A_144, %gt3A_154 : vector<8x100000xf32>
      %eq3A_156 = vector.broadcast %get3A_149 : vector<8x1xf32> to vector<8x100000xf32>
      %eq3A_157 = arith.cmpf oeq, %get3A_144, %eq3A_156 : vector<8x100000xf32>
      %lt3A_158 = vector.broadcast %get3A_152 : vector<8x1xi32> to vector<8x100000xi32>
      %lt3A_159 = arith.cmpi slt, %iota3A_153, %lt3A_158 : vector<8x100000xi32>
      %and3A_160 = arith.andi %eq3A_157, %lt3A_159 : vector<8x100000xi1>
      %or3A_161 = arith.ori %gt3A_155, %and3A_160 : vector<8x100000xi1>
      %jit3A_162 = arith.constant 1 : i32
      %jit3A_163 = arith.constant 0 : i32
      %broadcast_in_dim3A_164 = vector.broadcast %jit3A_162 : i32 to vector<8x100000xi32>
      %broadcast_in_dim3A_165 = vector.broadcast %jit3A_163 : i32 to vector<8x100000xi32>
      %select_n3A_166 = arith.select %or3A_161, %broadcast_in_dim3A_164, %broadcast_in_dim3A_165 : vector<8x100000xi1>, vector<8x100000xi32>
      %reduce_sum3A_167 = arith.constant dense<0> : vector<8xi32>
      %reduce_sum3A_168 = vector.multi_reduction <add>, %select_n3A_166, %reduce_sum3A_167 [1] : vector<8x100000xi32> to vector<8xi32>
      %broadcast_in_dim3A_169 = vector.shape_cast %reduce_sum3A_168 : vector<8xi32> to vector<8x1xi32>
      %swap3A_170 = arith.index_cast %mul3A_146 : i32 to index
      %swap3A_171 = arith.constant 0 : index
      %swap3A_172 = vector.load %arg5[%swap3A_170, %swap3A_171] : memref<1024x1xi32, #tpu.memory_space<vmem>>, vector<8x1xi32>
      tpu.vector_store %arg5[%swap3A_170, %swap3A_171], %broadcast_in_dim3A_169 {strides = array<i32>} : memref<1024x1xi32, #tpu.memory_space<vmem>>, vector<8x1xi32>,
      %lt3A_173 = arith.constant 15 : i32
      %lt3A_174 = arith.cmpi slt, %scan3A_55, %lt3A_173 : i32
      %convert_element_type3A_175 = arith.extui %lt3A_174 : i1 to i32
      %cond3A_176 = arith.constant 0 : i32
      %cond3A_177 = arith.cmpi ne, %convert_element_type3A_175, %cond3A_176 : i32
      scf.if %cond3A_177 {
        %add3A_398 = arith.constant 1 : i32
        %add3A_399 = arith.addi %scan3A_55, %add3A_398 : i32
        %mul3A_400 = arith.constant 8 : i32
        %mul3A_401 = arith.muli %add3A_399, %mul3A_400 : i32
        %add3A_402 = arith.constant 2 : i32
        %add3A_403 = arith.addi %mul3A_401, %add3A_402 : i32
        %mul3A_404 = arith.constant 8 : i32
        %mul3A_405 = arith.muli %add3A_403, %mul3A_404 : i32
        %dma_start3A_406 = arith.constant 0 : i32
        %dma_start3A_407 = tpu.memref_slice %arg0[%mul3A_405, %dma_start3A_406] : memref<1024x100000xf32, #tpu.memory_space<any>> -> memref<8x100000xf32, #tpu.memory_space<any>>
        tpu.enqueue_dma source(%dma_start3A_407 : memref<8x100000xf32, #tpu.memory_space<any>>) target(%arg8 : memref<8x100000xf32, #tpu.memory_space<vmem>>) target_semaphore(%arg16 : memref<!tpu.dma_semaphore, #tpu.memory_space<semaphore_mem>>)
      } else {
      }
      %mul3A_178 = arith.constant 8 : i32
      %mul3A_179 = arith.muli %scan3A_55, %mul3A_178 : i32
      %add3A_180 = arith.constant 3 : i32
      %add3A_181 = arith.addi %mul3A_179, %add3A_180 : i32
      %mul3A_182 = arith.constant 8 : i32
      %mul3A_183 = arith.muli %add3A_181, %mul3A_182 : i32
      %dma_wait3A_184 = arith.constant 0 : i32
      %dma_wait3A_185 = tpu.memref_slice %arg0[%mul3A_183, %dma_wait3A_184] : memref<1024x100000xf32, #tpu.memory_space<any>> -> memref<8x100000xf32, #tpu.memory_space<any>>
      tpu.wait_dma2 semaphore(%arg17 : memref<!tpu.dma_semaphore, #tpu.memory_space<semaphore_mem>>) src(%dma_wait3A_185 : memref<8x100000xf32, #tpu.memory_space<any>>) dst(%arg9 : memref<8x100000xf32, #tpu.memory_space<vmem>>)
      %get3A_186 = arith.constant 0 : index
      %get3A_187 = arith.constant 0 : index
      %get3A_188 = vector.load %arg9[%get3A_186, %get3A_187] : memref<8x100000xf32, #tpu.memory_space<vmem>>, vector<8x100000xf32>
      %mul3A_189 = arith.constant 8 : i32
      %mul3A_190 = arith.muli %add3A_181, %mul3A_189 : i32
      %get3A_191 = arith.index_cast %mul3A_190 : i32 to index
      %get3A_192 = arith.constant 0 : index
      %get3A_193 = vector.load %arg1[%get3A_191, %get3A_192] : memref<1024x1xf32, #tpu.memory_space<vmem>>, vector<8x1xf32>
      %get3A_194 = arith.index_cast %mul3A_190 : i32 to index
      %get3A_195 = arith.constant 0 : index
      %get3A_196 = vector.load %arg2[%get3A_194, %get3A_195] : memref<1024x1xi32, #tpu.memory_space<vmem>>, vector<8x1xi32>
      %iota3A_197 = tpu.iota {dimensions = array<i32: 1>} : vector<8x100000xi32>
      %gt3A_198 = vector.broadcast %get3A_193 : vector<8x1xf32> to vector<8x100000xf32>
      %gt3A_199 = arith.cmpf ogt, %get3A_188, %gt3A_198 : vector<8x100000xf32>
      %eq3A_200 = vector.broadcast %get3A_193 : vector<8x1xf32> to vector<8x100000xf32>
      %eq3A_201 = arith.cmpf oeq, %get3A_188, %eq3A_200 : vector<8x100000xf32>
      %lt3A_202 = vector.broadcast %get3A_196 : vector<8x1xi32> to vector<8x100000xi32>
      %lt3A_203 = arith.cmpi slt, %iota3A_197, %lt3A_202 : vector<8x100000xi32>
      %and3A_204 = arith.andi %eq3A_201, %lt3A_203 : vector<8x100000xi1>
      %or3A_205 = arith.ori %gt3A_199, %and3A_204 : vector<8x100000xi1>
      %jit3A_206 = arith.constant 1 : i32
      %jit3A_207 = arith.constant 0 : i32
      %broadcast_in_dim3A_208 = vector.broadcast %jit3A_206 : i32 to vector<8x100000xi32>
      %broadcast_in_dim3A_209 = vector.broadcast %jit3A_207 : i32 to vector<8x100000xi32>
      %select_n3A_210 = arith.select %or3A_205, %broadcast_in_dim3A_208, %broadcast_in_dim3A_209 : vector<8x100000xi1>, vector<8x100000xi32>
      %reduce_sum3A_211 = arith.constant dense<0> : vector<8xi32>
      %reduce_sum3A_212 = vector.multi_reduction <add>, %select_n3A_210, %reduce_sum3A_211 [1] : vector<8x100000xi32> to vector<8xi32>
      %broadcast_in_dim3A_213 = vector.shape_cast %reduce_sum3A_212 : vector<8xi32> to vector<8x1xi32>
      %swap3A_214 = arith.index_cast %mul3A_190 : i32 to index
      %swap3A_215 = arith.constant 0 : index
      %swap3A_216 = vector.load %arg5[%swap3A_214, %swap3A_215] : memref<1024x1xi32, #tpu.memory_space<vmem>>, vector<8x1xi32>
      tpu.vector_store %arg5[%swap3A_214, %swap3A_215], %broadcast_in_dim3A_213 {strides = array<i32>} : memref<1024x1xi32, #tpu.memory_space<vmem>>, vector<8x1xi32>,
      %lt3A_217 = arith.constant 15 : i32
      %lt3A_218 = arith.cmpi slt, %scan3A_55, %lt3A_217 : i32
      %convert_element_type3A_219 = arith.extui %lt3A_218 : i1 to i32
      %cond3A_220 = arith.constant 0 : i32
      %cond3A_221 = arith.cmpi ne, %convert_element_type3A_219, %cond3A_220 : i32
      scf.if %cond3A_221 {
        %add3A_398 = arith.constant 1 : i32
        %add3A_399 = arith.addi %scan3A_55, %add3A_398 : i32
        %mul3A_400 = arith.constant 8 : i32
        %mul3A_401 = arith.muli %add3A_399, %mul3A_400 : i32
        %add3A_402 = arith.constant 3 : i32
        %add3A_403 = arith.addi %mul3A_401, %add3A_402 : i32
        %mul3A_404 = arith.constant 8 : i32
        %mul3A_405 = arith.muli %add3A_403, %mul3A_404 : i32
        %dma_start3A_406 = arith.constant 0 : i32
        %dma_start3A_407 = tpu.memref_slice %arg0[%mul3A_405, %dma_start3A_406] : memref<1024x100000xf32, #tpu.memory_space<any>> -> memref<8x100000xf32, #tpu.memory_space<any>>
        tpu.enqueue_dma source(%dma_start3A_407 : memref<8x100000xf32, #tpu.memory_space<any>>) target(%arg9 : memref<8x100000xf32, #tpu.memory_space<vmem>>) target_semaphore(%arg17 : memref<!tpu.dma_semaphore, #tpu.memory_space<semaphore_mem>>)
      } else {
      }
      %mul3A_222 = arith.constant 8 : i32
      %mul3A_223 = arith.muli %scan3A_55, %mul3A_222 : i32
      %add3A_224 = arith.constant 4 : i32
      %add3A_225 = arith.addi %mul3A_223, %add3A_224 : i32
      %mul3A_226 = arith.constant 8 : i32
      %mul3A_227 = arith.muli %add3A_225, %mul3A_226 : i32
      %dma_wait3A_228 = arith.constant 0 : i32
      %dma_wait3A_229 = tpu.memref_slice %arg0[%mul3A_227, %dma_wait3A_228] : memref<1024x100000xf32, #tpu.memory_space<any>> -> memref<8x100000xf32, #tpu.memory_space<any>>
      tpu.wait_dma2 semaphore(%arg18 : memref<!tpu.dma_semaphore, #tpu.memory_space<semaphore_mem>>) src(%dma_wait3A_229 : memref<8x100000xf32, #tpu.memory_space<any>>) dst(%arg10 : memref<8x100000xf32, #tpu.memory_space<vmem>>)
      %get3A_230 = arith.constant 0 : index
      %get3A_231 = arith.constant 0 : index
      %get3A_232 = vector.load %arg10[%get3A_230, %get3A_231] : memref<8x100000xf32, #tpu.memory_space<vmem>>, vector<8x100000xf32>
      %mul3A_233 = arith.constant 8 : i32
      %mul3A_234 = arith.muli %add3A_225, %mul3A_233 : i32
      %get3A_235 = arith.index_cast %mul3A_234 : i32 to index
      %get3A_236 = arith.constant 0 : index
      %get3A_237 = vector.load %arg1[%get3A_235, %get3A_236] : memref<1024x1xf32, #tpu.memory_space<vmem>>, vector<8x1xf32>
      %get3A_238 = arith.index_cast %mul3A_234 : i32 to index
      %get3A_239 = arith.constant 0 : index
      %get3A_240 = vector.load %arg2[%get3A_238, %get3A_239] : memref<1024x1xi32, #tpu.memory_space<vmem>>, vector<8x1xi32>
      %iota3A_241 = tpu.iota {dimensions = array<i32: 1>} : vector<8x100000xi32>
      %gt3A_242 = vector.broadcast %get3A_237 : vector<8x1xf32> to vector<8x100000xf32>
      %gt3A_243 = arith.cmpf ogt, %get3A_232, %gt3A_242 : vector<8x100000xf32>
      %eq3A_244 = vector.broadcast %get3A_237 : vector<8x1xf32> to vector<8x100000xf32>
      %eq3A_245 = arith.cmpf oeq, %get3A_232, %eq3A_244 : vector<8x100000xf32>
      %lt3A_246 = vector.broadcast %get3A_240 : vector<8x1xi32> to vector<8x100000xi32>
      %lt3A_247 = arith.cmpi slt, %iota3A_241, %lt3A_246 : vector<8x100000xi32>
      %and3A_248 = arith.andi %eq3A_245, %lt3A_247 : vector<8x100000xi1>
      %or3A_249 = arith.ori %gt3A_243, %and3A_248 : vector<8x100000xi1>
      %jit3A_250 = arith.constant 1 : i32
      %jit3A_251 = arith.constant 0 : i32
      %broadcast_in_dim3A_252 = vector.broadcast %jit3A_250 : i32 to vector<8x100000xi32>
      %broadcast_in_dim3A_253 = vector.broadcast %jit3A_251 : i32 to vector<8x100000xi32>
      %select_n3A_254 = arith.select %or3A_249, %broadcast_in_dim3A_252, %broadcast_in_dim3A_253 : vector<8x100000xi1>, vector<8x100000xi32>
      %reduce_sum3A_255 = arith.constant dense<0> : vector<8xi32>
      %reduce_sum3A_256 = vector.multi_reduction <add>, %select_n3A_254, %reduce_sum3A_255 [1] : vector<8x100000xi32> to vector<8xi32>
      %broadcast_in_dim3A_257 = vector.shape_cast %reduce_sum3A_256 : vector<8xi32> to vector<8x1xi32>
      %swap3A_258 = arith.index_cast %mul3A_234 : i32 to index
      %swap3A_259 = arith.constant 0 : index
      %swap3A_260 = vector.load %arg5[%swap3A_258, %swap3A_259] : memref<1024x1xi32, #tpu.memory_space<vmem>>, vector<8x1xi32>
      tpu.vector_store %arg5[%swap3A_258, %swap3A_259], %broadcast_in_dim3A_257 {strides = array<i32>} : memref<1024x1xi32, #tpu.memory_space<vmem>>, vector<8x1xi32>,
      %lt3A_261 = arith.constant 15 : i32
      %lt3A_262 = arith.cmpi slt, %scan3A_55, %lt3A_261 : i32
      %convert_element_type3A_263 = arith.extui %lt3A_262 : i1 to i32
      %cond3A_264 = arith.constant 0 : i32
      %cond3A_265 = arith.cmpi ne, %convert_element_type3A_263, %cond3A_264 : i32
      scf.if %cond3A_265 {
        %add3A_398 = arith.constant 1 : i32
        %add3A_399 = arith.addi %scan3A_55, %add3A_398 : i32
        %mul3A_400 = arith.constant 8 : i32
        %mul3A_401 = arith.muli %add3A_399, %mul3A_400 : i32
        %add3A_402 = arith.constant 4 : i32
        %add3A_403 = arith.addi %mul3A_401, %add3A_402 : i32
        %mul3A_404 = arith.constant 8 : i32
        %mul3A_405 = arith.muli %add3A_403, %mul3A_404 : i32
        %dma_start3A_406 = arith.constant 0 : i32
        %dma_start3A_407 = tpu.memref_slice %arg0[%mul3A_405, %dma_start3A_406] : memref<1024x100000xf32, #tpu.memory_space<any>> -> memref<8x100000xf32, #tpu.memory_space<any>>
        tpu.enqueue_dma source(%dma_start3A_407 : memref<8x100000xf32, #tpu.memory_space<any>>) target(%arg10 : memref<8x100000xf32, #tpu.memory_space<vmem>>) target_semaphore(%arg18 : memref<!tpu.dma_semaphore, #tpu.memory_space<semaphore_mem>>)
      } else {
      }
      %mul3A_266 = arith.constant 8 : i32
      %mul3A_267 = arith.muli %scan3A_55, %mul3A_266 : i32
      %add3A_268 = arith.constant 5 : i32
      %add3A_269 = arith.addi %mul3A_267, %add3A_268 : i32
      %mul3A_270 = arith.constant 8 : i32
      %mul3A_271 = arith.muli %add3A_269, %mul3A_270 : i32
      %dma_wait3A_272 = arith.constant 0 : i32
      %dma_wait3A_273 = tpu.memref_slice %arg0[%mul3A_271, %dma_wait3A_272] : memref<1024x100000xf32, #tpu.memory_space<any>> -> memref<8x100000xf32, #tpu.memory_space<any>>
      tpu.wait_dma2 semaphore(%arg19 : memref<!tpu.dma_semaphore, #tpu.memory_space<semaphore_mem>>) src(%dma_wait3A_273 : memref<8x100000xf32, #tpu.memory_space<any>>) dst(%arg11 : memref<8x100000xf32, #tpu.memory_space<vmem>>)
      %get3A_274 = arith.constant 0 : index
      %get3A_275 = arith.constant 0 : index
      %get3A_276 = vector.load %arg11[%get3A_274, %get3A_275] : memref<8x100000xf32, #tpu.memory_space<vmem>>, vector<8x100000xf32>
      %mul3A_277 = arith.constant 8 : i32
      %mul3A_278 = arith.muli %add3A_269, %mul3A_277 : i32
      %get3A_279 = arith.index_cast %mul3A_278 : i32 to index
      %get3A_280 = arith.constant 0 : index
      %get3A_281 = vector.load %arg1[%get3A_279, %get3A_280] : memref<1024x1xf32, #tpu.memory_space<vmem>>, vector<8x1xf32>
      %get3A_282 = arith.index_cast %mul3A_278 : i32 to index
      %get3A_283 = arith.constant 0 : index
      %get3A_284 = vector.load %arg2[%get3A_282, %get3A_283] : memref<1024x1xi32, #tpu.memory_space<vmem>>, vector<8x1xi32>
      %iota3A_285 = tpu.iota {dimensions = array<i32: 1>} : vector<8x100000xi32>
      %gt3A_286 = vector.broadcast %get3A_281 : vector<8x1xf32> to vector<8x100000xf32>
      %gt3A_287 = arith.cmpf ogt, %get3A_276, %gt3A_286 : vector<8x100000xf32>
      %eq3A_288 = vector.broadcast %get3A_281 : vector<8x1xf32> to vector<8x100000xf32>
      %eq3A_289 = arith.cmpf oeq, %get3A_276, %eq3A_288 : vector<8x100000xf32>
      %lt3A_290 = vector.broadcast %get3A_284 : vector<8x1xi32> to vector<8x100000xi32>
      %lt3A_291 = arith.cmpi slt, %iota3A_285, %lt3A_290 : vector<8x100000xi32>
      %and3A_292 = arith.andi %eq3A_289, %lt3A_291 : vector<8x100000xi1>
      %or3A_293 = arith.ori %gt3A_287, %and3A_292 : vector<8x100000xi1>
      %jit3A_294 = arith.constant 1 : i32
      %jit3A_295 = arith.constant 0 : i32
      %broadcast_in_dim3A_296 = vector.broadcast %jit3A_294 : i32 to vector<8x100000xi32>
      %broadcast_in_dim3A_297 = vector.broadcast %jit3A_295 : i32 to vector<8x100000xi32>
      %select_n3A_298 = arith.select %or3A_293, %broadcast_in_dim3A_296, %broadcast_in_dim3A_297 : vector<8x100000xi1>, vector<8x100000xi32>
      %reduce_sum3A_299 = arith.constant dense<0> : vector<8xi32>
      %reduce_sum3A_300 = vector.multi_reduction <add>, %select_n3A_298, %reduce_sum3A_299 [1] : vector<8x100000xi32> to vector<8xi32>
      %broadcast_in_dim3A_301 = vector.shape_cast %reduce_sum3A_300 : vector<8xi32> to vector<8x1xi32>
      %swap3A_302 = arith.index_cast %mul3A_278 : i32 to index
      %swap3A_303 = arith.constant 0 : index
      %swap3A_304 = vector.load %arg5[%swap3A_302, %swap3A_303] : memref<1024x1xi32, #tpu.memory_space<vmem>>, vector<8x1xi32>
      tpu.vector_store %arg5[%swap3A_302, %swap3A_303], %broadcast_in_dim3A_301 {strides = array<i32>} : memref<1024x1xi32, #tpu.memory_space<vmem>>, vector<8x1xi32>,
      %lt3A_305 = arith.constant 15 : i32
      %lt3A_306 = arith.cmpi slt, %scan3A_55, %lt3A_305 : i32
      %convert_element_type3A_307 = arith.extui %lt3A_306 : i1 to i32
      %cond3A_308 = arith.constant 0 : i32
      %cond3A_309 = arith.cmpi ne, %convert_element_type3A_307, %cond3A_308 : i32
      scf.if %cond3A_309 {
        %add3A_398 = arith.constant 1 : i32
        %add3A_399 = arith.addi %scan3A_55, %add3A_398 : i32
        %mul3A_400 = arith.constant 8 : i32
        %mul3A_401 = arith.muli %add3A_399, %mul3A_400 : i32
        %add3A_402 = arith.constant 5 : i32
        %add3A_403 = arith.addi %mul3A_401, %add3A_402 : i32
        %mul3A_404 = arith.constant 8 : i32
        %mul3A_405 = arith.muli %add3A_403, %mul3A_404 : i32
        %dma_start3A_406 = arith.constant 0 : i32
        %dma_start3A_407 = tpu.memref_slice %arg0[%mul3A_405, %dma_start3A_406] : memref<1024x100000xf32, #tpu.memory_space<any>> -> memref<8x100000xf32, #tpu.memory_space<any>>
        tpu.enqueue_dma source(%dma_start3A_407 : memref<8x100000xf32, #tpu.memory_space<any>>) target(%arg11 : memref<8x100000xf32, #tpu.memory_space<vmem>>) target_semaphore(%arg19 : memref<!tpu.dma_semaphore, #tpu.memory_space<semaphore_mem>>)
      } else {
      }
      %mul3A_310 = arith.constant 8 : i32
      %mul3A_311 = arith.muli %scan3A_55, %mul3A_310 : i32
      %add3A_312 = arith.constant 6 : i32
      %add3A_313 = arith.addi %mul3A_311, %add3A_312 : i32
      %mul3A_314 = arith.constant 8 : i32
      %mul3A_315 = arith.muli %add3A_313, %mul3A_314 : i32
      %dma_wait3A_316 = arith.constant 0 : i32
      %dma_wait3A_317 = tpu.memref_slice %arg0[%mul3A_315, %dma_wait3A_316] : memref<1024x100000xf32, #tpu.memory_space<any>> -> memref<8x100000xf32, #tpu.memory_space<any>>
      tpu.wait_dma2 semaphore(%arg20 : memref<!tpu.dma_semaphore, #tpu.memory_space<semaphore_mem>>) src(%dma_wait3A_317 : memref<8x100000xf32, #tpu.memory_space<any>>) dst(%arg12 : memref<8x100000xf32, #tpu.memory_space<vmem>>)
      %get3A_318 = arith.constant 0 : index
      %get3A_319 = arith.constant 0 : index
      %get3A_320 = vector.load %arg12[%get3A_318, %get3A_319] : memref<8x100000xf32, #tpu.memory_space<vmem>>, vector<8x100000xf32>
      %mul3A_321 = arith.constant 8 : i32
      %mul3A_322 = arith.muli %add3A_313, %mul3A_321 : i32
      %get3A_323 = arith.index_cast %mul3A_322 : i32 to index
      %get3A_324 = arith.constant 0 : index
      %get3A_325 = vector.load %arg1[%get3A_323, %get3A_324] : memref<1024x1xf32, #tpu.memory_space<vmem>>, vector<8x1xf32>
      %get3A_326 = arith.index_cast %mul3A_322 : i32 to index
      %get3A_327 = arith.constant 0 : index
      %get3A_328 = vector.load %arg2[%get3A_326, %get3A_327] : memref<1024x1xi32, #tpu.memory_space<vmem>>, vector<8x1xi32>
      %iota3A_329 = tpu.iota {dimensions = array<i32: 1>} : vector<8x100000xi32>
      %gt3A_330 = vector.broadcast %get3A_325 : vector<8x1xf32> to vector<8x100000xf32>
      %gt3A_331 = arith.cmpf ogt, %get3A_320, %gt3A_330 : vector<8x100000xf32>
      %eq3A_332 = vector.broadcast %get3A_325 : vector<8x1xf32> to vector<8x100000xf32>
      %eq3A_333 = arith.cmpf oeq, %get3A_320, %eq3A_332 : vector<8x100000xf32>
      %lt3A_334 = vector.broadcast %get3A_328 : vector<8x1xi32> to vector<8x100000xi32>
      %lt3A_335 = arith.cmpi slt, %iota3A_329, %lt3A_334 : vector<8x100000xi32>
      %and3A_336 = arith.andi %eq3A_333, %lt3A_335 : vector<8x100000xi1>
      %or3A_337 = arith.ori %gt3A_331, %and3A_336 : vector<8x100000xi1>
      %jit3A_338 = arith.constant 1 : i32
      %jit3A_339 = arith.constant 0 : i32
      %broadcast_in_dim3A_340 = vector.broadcast %jit3A_338 : i32 to vector<8x100000xi32>
      %broadcast_in_dim3A_341 = vector.broadcast %jit3A_339 : i32 to vector<8x100000xi32>
      %select_n3A_342 = arith.select %or3A_337, %broadcast_in_dim3A_340, %broadcast_in_dim3A_341 : vector<8x100000xi1>, vector<8x100000xi32>
      %reduce_sum3A_343 = arith.constant dense<0> : vector<8xi32>
      %reduce_sum3A_344 = vector.multi_reduction <add>, %select_n3A_342, %reduce_sum3A_343 [1] : vector<8x100000xi32> to vector<8xi32>
      %broadcast_in_dim3A_345 = vector.shape_cast %reduce_sum3A_344 : vector<8xi32> to vector<8x1xi32>
      %swap3A_346 = arith.index_cast %mul3A_322 : i32 to index
      %swap3A_347 = arith.constant 0 : index
      %swap3A_348 = vector.load %arg5[%swap3A_346, %swap3A_347] : memref<1024x1xi32, #tpu.memory_space<vmem>>, vector<8x1xi32>
      tpu.vector_store %arg5[%swap3A_346, %swap3A_347], %broadcast_in_dim3A_345 {strides = array<i32>} : memref<1024x1xi32, #tpu.memory_space<vmem>>, vector<8x1xi32>,
      %lt3A_349 = arith.constant 15 : i32
      %lt3A_350 = arith.cmpi slt, %scan3A_55, %lt3A_349 : i32
      %convert_element_type3A_351 = arith.extui %lt3A_350 : i1 to i32
      %cond3A_352 = arith.constant 0 : i32
      %cond3A_353 = arith.cmpi ne, %convert_element_type3A_351, %cond3A_352 : i32
      scf.if %cond3A_353 {
        %add3A_398 = arith.constant 1 : i32
        %add3A_399 = arith.addi %scan3A_55, %add3A_398 : i32
        %mul3A_400 = arith.constant 8 : i32
        %mul3A_401 = arith.muli %add3A_399, %mul3A_400 : i32
        %add3A_402 = arith.constant 6 : i32
        %add3A_403 = arith.addi %mul3A_401, %add3A_402 : i32
        %mul3A_404 = arith.constant 8 : i32
        %mul3A_405 = arith.muli %add3A_403, %mul3A_404 : i32
        %dma_start3A_406 = arith.constant 0 : i32
        %dma_start3A_407 = tpu.memref_slice %arg0[%mul3A_405, %dma_start3A_406] : memref<1024x100000xf32, #tpu.memory_space<any>> -> memref<8x100000xf32, #tpu.memory_space<any>>
        tpu.enqueue_dma source(%dma_start3A_407 : memref<8x100000xf32, #tpu.memory_space<any>>) target(%arg12 : memref<8x100000xf32, #tpu.memory_space<vmem>>) target_semaphore(%arg20 : memref<!tpu.dma_semaphore, #tpu.memory_space<semaphore_mem>>)
      } else {
      }
      %mul3A_354 = arith.constant 8 : i32
      %mul3A_355 = arith.muli %scan3A_55, %mul3A_354 : i32
      %add3A_356 = arith.constant 7 : i32
      %add3A_357 = arith.addi %mul3A_355, %add3A_356 : i32
      %mul3A_358 = arith.constant 8 : i32
      %mul3A_359 = arith.muli %add3A_357, %mul3A_358 : i32
      %dma_wait3A_360 = arith.constant 0 : i32
      %dma_wait3A_361 = tpu.memref_slice %arg0[%mul3A_359, %dma_wait3A_360] : memref<1024x100000xf32, #tpu.memory_space<any>> -> memref<8x100000xf32, #tpu.memory_space<any>>
      tpu.wait_dma2 semaphore(%arg21 : memref<!tpu.dma_semaphore, #tpu.memory_space<semaphore_mem>>) src(%dma_wait3A_361 : memref<8x100000xf32, #tpu.memory_space<any>>) dst(%arg13 : memref<8x100000xf32, #tpu.memory_space<vmem>>)
      %get3A_362 = arith.constant 0 : index
      %get3A_363 = arith.constant 0 : index
      %get3A_364 = vector.load %arg13[%get3A_362, %get3A_363] : memref<8x100000xf32, #tpu.memory_space<vmem>>, vector<8x100000xf32>
      %mul3A_365 = arith.constant 8 : i32
      %mul3A_366 = arith.muli %add3A_357, %mul3A_365 : i32
      %get3A_367 = arith.index_cast %mul3A_366 : i32 to index
      %get3A_368 = arith.constant 0 : index
      %get3A_369 = vector.load %arg1[%get3A_367, %get3A_368] : memref<1024x1xf32, #tpu.memory_space<vmem>>, vector<8x1xf32>
      %get3A_370 = arith.index_cast %mul3A_366 : i32 to index
      %get3A_371 = arith.constant 0 : index
      %get3A_372 = vector.load %arg2[%get3A_370, %get3A_371] : memref<1024x1xi32, #tpu.memory_space<vmem>>, vector<8x1xi32>
      %iota3A_373 = tpu.iota {dimensions = array<i32: 1>} : vector<8x100000xi32>
      %gt3A_374 = vector.broadcast %get3A_369 : vector<8x1xf32> to vector<8x100000xf32>
      %gt3A_375 = arith.cmpf ogt, %get3A_364, %gt3A_374 : vector<8x100000xf32>
      %eq3A_376 = vector.broadcast %get3A_369 : vector<8x1xf32> to vector<8x100000xf32>
      %eq3A_377 = arith.cmpf oeq, %get3A_364, %eq3A_376 : vector<8x100000xf32>
      %lt3A_378 = vector.broadcast %get3A_372 : vector<8x1xi32> to vector<8x100000xi32>
      %lt3A_379 = arith.cmpi slt, %iota3A_373, %lt3A_378 : vector<8x100000xi32>
      %and3A_380 = arith.andi %eq3A_377, %lt3A_379 : vector<8x100000xi1>
      %or3A_381 = arith.ori %gt3A_375, %and3A_380 : vector<8x100000xi1>
      %jit3A_382 = arith.constant 1 : i32
      %jit3A_383 = arith.constant 0 : i32
      %broadcast_in_dim3A_384 = vector.broadcast %jit3A_382 : i32 to vector<8x100000xi32>
      %broadcast_in_dim3A_385 = vector.broadcast %jit3A_383 : i32 to vector<8x100000xi32>
      %select_n3A_386 = arith.select %or3A_381, %broadcast_in_dim3A_384, %broadcast_in_dim3A_385 : vector<8x100000xi1>, vector<8x100000xi32>
      %reduce_sum3A_387 = arith.constant dense<0> : vector<8xi32>
      %reduce_sum3A_388 = vector.multi_reduction <add>, %select_n3A_386, %reduce_sum3A_387 [1] : vector<8x100000xi32> to vector<8xi32>
      %broadcast_in_dim3A_389 = vector.shape_cast %reduce_sum3A_388 : vector<8xi32> to vector<8x1xi32>
      %swap3A_390 = arith.index_cast %mul3A_366 : i32 to index
      %swap3A_391 = arith.constant 0 : index
      %swap3A_392 = vector.load %arg5[%swap3A_390, %swap3A_391] : memref<1024x1xi32, #tpu.memory_space<vmem>>, vector<8x1xi32>
      tpu.vector_store %arg5[%swap3A_390, %swap3A_391], %broadcast_in_dim3A_389 {strides = array<i32>} : memref<1024x1xi32, #tpu.memory_space<vmem>>, vector<8x1xi32>,
      %lt3A_393 = arith.constant 15 : i32
      %lt3A_394 = arith.cmpi slt, %scan3A_55, %lt3A_393 : i32
      %convert_element_type3A_395 = arith.extui %lt3A_394 : i1 to i32
      %cond3A_396 = arith.constant 0 : i32
      %cond3A_397 = arith.cmpi ne, %convert_element_type3A_395, %cond3A_396 : i32
      scf.if %cond3A_397 {
        %add3A_398 = arith.constant 1 : i32
        %add3A_399 = arith.addi %scan3A_55, %add3A_398 : i32
        %mul3A_400 = arith.constant 8 : i32
        %mul3A_401 = arith.muli %add3A_399, %mul3A_400 : i32
        %add3A_402 = arith.constant 7 : i32
        %add3A_403 = arith.addi %mul3A_401, %add3A_402 : i32
        %mul3A_404 = arith.constant 8 : i32
        %mul3A_405 = arith.muli %add3A_403, %mul3A_404 : i32
        %dma_start3A_406 = arith.constant 0 : i32
        %dma_start3A_407 = tpu.memref_slice %arg0[%mul3A_405, %dma_start3A_406] : memref<1024x100000xf32, #tpu.memory_space<any>> -> memref<8x100000xf32, #tpu.memory_space<any>>
        tpu.enqueue_dma source(%dma_start3A_407 : memref<8x100000xf32, #tpu.memory_space<any>>) target(%arg13 : memref<8x100000xf32, #tpu.memory_space<vmem>>) target_semaphore(%arg21 : memref<!tpu.dma_semaphore, #tpu.memory_space<semaphore_mem>>)
      } else {
      }
    }
    %scan3A_26 = arith.constant 16 : i32
    %get3A = arith.constant 0 : index
    %get3A_27 = arith.constant 0 : index
    %get3A_28 = vector.load %arg5[%get3A, %get3A_27] : memref<1024x1xi32, #tpu.memory_space<vmem>>, vector<1024x1xi32>
    %lt3A = arith.constant 1 : i32
    %lt3A_29 = vector.broadcast %lt3A : i32 to vector<1024x1xi32>
    %lt3A_30 = arith.cmpi slt, %get3A_28, %lt3A_29 : vector<1024x1xi32>
    %jit3A = arith.constant 0.09765625 : f32
    %jit3A_31 = arith.constant 0.000000e+00 : f32
    %broadcast_in_dim3A = vector.broadcast %jit3A : f32 to vector<1024x1xf32>
    %broadcast_in_dim3A_32 = vector.broadcast %jit3A_31 : f32 to vector<1024x1xf32>
    %select_n3A = arith.select %lt3A_30, %broadcast_in_dim3A, %broadcast_in_dim3A_32 : vector<1024x1xi1>, vector<1024x1xf32>
    %reduce_sum3A = vector.shape_cast %select_n3A : vector<1024x1xf32> to vector<1x1024x1xf32>
    %reduce_sum3A_33 = arith.constant dense<0.000000e+00> : vector<1xf32>
    %reduce_sum3A_34 = vector.multi_reduction <add>, %reduce_sum3A, %reduce_sum3A_33 [1, 2] : vector<1x1024x1xf32> to vector<1xf32>
    %reduce_sum3A_35 = vector.shape_cast %reduce_sum3A_34 : vector<1xf32> to vector<1x1x1xf32>
    %reduce_sum3A_36 = vector.extract %reduce_sum3A_35[0, 0, 0] : f32 from vector<1x1x1xf32>
    %swap3A = arith.constant 0 : index
    %swap3A_37 = arith.constant 0 : index
    %swap3A_38 = memref.load %arg3[%swap3A, %swap3A_37] : memref<1x1xf32, #tpu.memory_space<smem>>
    memref.store %reduce_sum3A_36, %arg3[%swap3A, %swap3A_37] : memref<1x1xf32, #tpu.memory_space<smem>>
    %lt3A_39 = arith.constant 5 : i32
    %lt3A_40 = vector.broadcast %lt3A_39 : i32 to vector<1024x1xi32>
    %lt3A_41 = arith.cmpi slt, %get3A_28, %lt3A_40 : vector<1024x1xi32>
    %jit3A_42 = arith.constant 0.09765625 : f32
    %jit3A_43 = arith.constant 0.000000e+00 : f32
    %broadcast_in_dim3A_44 = vector.broadcast %jit3A_42 : f32 to vector<1024x1xf32>
    %broadcast_in_dim3A_45 = vector.broadcast %jit3A_43 : f32 to vector<1024x1xf32>
    %select_n3A_46 = arith.select %lt3A_41, %broadcast_in_dim3A_44, %broadcast_in_dim3A_45 : vector<1024x1xi1>, vector<1024x1xf32>
    %reduce_sum3A_47 = vector.shape_cast %select_n3A_46 : vector<1024x1xf32> to vector<1x1024x1xf32>
    %reduce_sum3A_48 = arith.constant dense<0.000000e+00> : vector<1xf32>
    %reduce_sum3A_49 = vector.multi_reduction <add>, %reduce_sum3A_47, %reduce_sum3A_48 [1, 2] : vector<1x1024x1xf32> to vector<1xf32>
    %reduce_sum3A_50 = vector.shape_cast %reduce_sum3A_49 : vector<1xf32> to vector<1x1x1xf32>
    %reduce_sum3A_51 = vector.extract %reduce_sum3A_50[0, 0, 0] : f32 from vector<1x1x1xf32>
    %swap3A_52 = arith.constant 0 : index
    %swap3A_53 = arith.constant 0 : index
    %swap3A_54 = memref.load %arg4[%swap3A_52, %swap3A_53] : memref<1x1xf32, #tpu.memory_space<smem>>
    memref.store %reduce_sum3A_51, %arg4[%swap3A_52, %swap3A_53] : memref<1x1xf32, #tpu.memory_space<smem>>
    return
  }
}

</mosaic_0001>

<sc_bundles>
// kernel: kernel.4.cloned.1.call-start
scs
__scs_entry_jumppad:
0x0: {  	(pc) =	sbr.rel $0x88, $3  }
0x1: {  	(tag) =	ssettag $0x0;
	lr =	simm.s32 $0x1  }
0x2: {  	[smem:$0x3F9F] =	sst lr;
	_ =	strace $0xD0000000  }
0x3: {  	_ = 	snop  }
0x4: {  	_ = 	snop  }
0x5: {  	_ = 	snop  }
0x6: {  	_ = 	snop  }
0x7: {  	_ = 	snop  }
__scs_overlays_trampoline_lowered:
0x8: {  	[smem:$0x3FAE] =	sst s0  }
0x9: {  	[smem:$0x3FAF] =	sst s1  }
0xa: {  	[smem:$0x3FB0] =	sst s2  }
0xb: {  	[smem:$0x3FB1] =	sst s3  }
0xc: {  	[smem:$0x3FB2] =	sst s4  }
0xd: {  	[smem:$0x3FB3] =	sst s5  }
0xe: {  	[smem:$0x3FB4] =	sst s6  }
0xf: {  	[smem:$0x3FB5] =	sst s7  }
0x10: {  	[smem:$0x3FB6] =	sst s8  }
0x11: {  	[smem:$0x3FB7] =	sst s9;
	s0 =	simm.s32 @!p0 $0x0  }
0x12: {  	s1 =	sld [smem:$0x3F9D];
	s0 =	simm.s32 @p0 $0x1  }
0x13: {  	[smem:$0x3FB8] =	sst s0;
	s0 =	simm.s32 @!p1 $0x0  }
0x14: {  	s2 =	sld [smem:$0x3F9C];
	s0 =	simm.s32 @p1 $0x1  }
0x15: {  	[smem:$0x3FB9] =	sst s0;
	s0 =	simm.s32 @!p2 $0x0  }
0x16: {  	s3 =	sld [smem:$0x3FDB];
	s0 =	simm.s32 @p2 $0x1  }
0x17: {  	s4 =	simm.s32 $0x1BF5;
	[smem:$0x3FBB] =	sst s0  }
0x18: {  	s0 =	sld [smem:$0x3F9E];
	_ =	swait.ge [sflag:s4], $0x0  }
0x19: {  	s7 =	sld [smem:$0x3F9F]  }
0x1a: {  	s8 =	sadd.s32 $0xFFFFE003, lr  }
0x1b: {  	s9 =	sadd.s32 $0xFFFFFEF7, lr;
	s5 =	simm.s32 $0xFFFFFFFF;
	p2 =	slt.u32 s8, $0xFFFFF086  }
0x1c: {  	p1 =	slt.u32 s9, $0xF7A;
	s5 =	simm.s32 @!p2 $0x0  }
0x1d: {  	s5 =	simm.s32 @p1 $0x1;
	p0 =	seq.s32 s7, s2  }
0x1e: {  	s7 =	smul.u32 @!p0 $0xF7A, s2;
	p2 =	seq.s32 @!p0 s5, $0x0  }
0x1f: {  	s9 =	smul.u32 $0xF7A, s1;
	s8 =	simm.s32 @!p0 $0x1BF5;
	p2 =	por !p2, p0  }
0x20: {  	[sflag:s8] =	ssyncset.s32 @!p0 $0xFFFFF086;
	s6 =	sadd.s32 @!p0 s3, s7;
	s7 =	simm.s32 @!p0 $0x108  }
0x21: {  	s3 =	sadd.s32 s3, s9;
	s6 =	sadd.s32 @!p0 $0x88, s6;
	s7 =	simm.s32 @p2 $0x1082  }
0x22: {  	[simem:s7], [sflag:s8] =	dma.local @!p0 [hbm:s6], $0xF7A  }
0x23: {  	s9 =	sor.u32 $0xD0000000, s2;
	s6 =	simm.s32 $0x108;
	_ =	swait.ge @!p0 [sflag:s8], $0x0  }
0x24: {  	s3 =	sadd.s32 $0x88, s3;
	s6 =	simm.s32 @!p1 $0x1082;
	[sflag:s4] =	ssyncset.s32 $0xFFFFF086  }
0x25: {  	[simem:s6], [sflag:s4] =	dma.local [hbm:s3], $0xF7A  }
0x26: {  	[smem:$0x3F9F] =	sst s1;
	(tag) =	ssettag s2;
	_ =	strace s9  }
0x27: {  	s1 =	sld [smem:$0x3FAF]  }
0x28: {  	s2 =	sld [smem:$0x3FB0]  }
0x29: {  	s4 =	sld [smem:$0x3FB2]  }
0x2a: {  	p0 =	seq.s32 s5, $0x0;
	s5 =	sld [smem:$0x3FB3]  }
0x2b: {  	s6 =	sld [smem:$0x3FB4]  }
0x2c: {  	s7 =	sld [smem:$0x3FB5]  }
0x2d: {  	s3 =	simm.s32 $0x108;
	s8 =	sld [smem:$0x3FB6]  }
0x2e: {  	s3 =	simm.s32 @!p0 $0x1082;
	s9 =	sld [smem:$0x3FB7]  }
0x2f: {  	lr =	sadd.s32 s0, s3;
	s0 =	sld [smem:$0x3FAE]  }
0x30: {  	s3 =	sld [smem:$0x3FB1]  }
0x31: {  	[smem:$0x3FBA] =	sst s10  }
0x32: {  	s10 =	sld [smem:$0x3FB8];
	_ =	sdelay $0x3  }
0x33: {  	p0 =	seq.s32 s10, $0x1;
	s10 =	sld [smem:$0x3FBA];
	_ =	sdelay $0x3  }
0x34: {  	[smem:$0x3FBA] =	sst s10  }
0x35: {  	s10 =	sld [smem:$0x3FB9];
	_ =	sdelay $0x3  }
0x36: {  	p1 =	seq.s32 s10, $0x1;
	s10 =	sld [smem:$0x3FBA];
	_ =	sdelay $0x3  }
0x37: {  	[smem:$0x3FBA] =	sst s10  }
0x38: {  	s10 =	sld [smem:$0x3FBB]  }
0x39: {  	_ = 	snop;
	(pc) =	sbr.ind lr, $3  }
0x3a: {  	_ = 	snop  }
0x3b: {  	_ = 	snop  }
0x3c: {  	p2 =	seq.s32 s10, $0x1;
	s10 =	sld [smem:$0x3FBA]  }
0x3d: {  	_ =	shalt  }
0x3e: {  	_ =	shalt  }
0x3f: {  	_ =	shalt  }
0x40: {  	_ =	shalt  }
0x41: {  	_ =	shalt  }
0x42: {  	_ =	shalt  }
0x43: {  	_ =	shalt  }
0x44: {  	_ =	shalt  }
0x45: {  	_ =	shalt  }
0x46: {  	_ =	shalt  }
0x47: {  	_ =	shalt  }
0x48: {  	_ =	shalt  }
0x49: {  	_ =	shalt  }
0x4a: {  	_ =	shalt  }
0x4b: {  	_ =	shalt  }
0x4c: {  	_ =	shalt  }
0x4d: {  	_ =	shalt  }
0x4e: {  	_ =	shalt  }
0x4f: {  	_ =	shalt  }
0x50: {  	_ =	shalt  }
0x51: {  	_ =	shalt  }
0x52: {  	_ =	shalt  }
0x53: {  	_ =	shalt  }
0x54: {  	_ =	shalt  }
0x55: {  	_ =	shalt  }
0x56: {  	_ =	shalt  }
0x57: {  	_ =	shalt  }
0x58: {  	_ =	shalt  }
0x59: {  	_ =	shalt  }
0x5a: {  	_ =	shalt  }
0x5b: {  	_ =	shalt  }
0x5c: {  	_ =	shalt  }
0x5d: {  	_ =	shalt  }
0x5e: {  	_ =	shalt  }
0x5f: {  	_ =	shalt  }
0x60: {  	_ =	shalt  }
0x61: {  	_ =	shalt  }
0x62: {  	_ =	shalt  }
0x63: {  	_ =	shalt  }
0x64: {  	_ =	shalt  }
0x65: {  	_ =	shalt  }
0x66: {  	_ =	shalt  }
0x67: {  	_ =	shalt  }
0x68: {  	_ =	shalt  }
0x69: {  	_ =	shalt  }
0x6a: {  	_ =	shalt  }
0x6b: {  	_ =	shalt  }
0x6c: {  	_ =	shalt  }
0x6d: {  	_ =	shalt  }
0x6e: {  	_ =	shalt  }
0x6f: {  	_ =	shalt  }
0x70: {  	_ =	shalt  }
0x71: {  	_ =	shalt  }
0x72: {  	_ =	shalt  }
0x73: {  	_ =	shalt  }
0x74: {  	_ =	shalt  }
0x75: {  	_ =	shalt  }
0x76: {  	_ =	shalt  }
0x77: {  	_ =	shalt  }
0x78: {  	_ =	shalt  }
0x79: {  	_ =	shalt  }
0x7a: {  	_ =	shalt  }
0x7b: {  	_ =	shalt  }
0x7c: {  	_ =	shalt  }
0x7d: {  	_ =	shalt  }
0x7e: {  	_ =	shalt  }
0x7f: {  	_ =	shalt  }
0x80: {  	_ =	shalt  }
0x81: {  	_ =	shalt  }
0x82: {  	_ =	shalt  }
0x83: {  	_ =	shalt  }
0x84: {  	_ =	shalt  }
0x85: {  	_ =	shalt  }
0x86: {  	_ =	shalt  }
0x87: {  	_ =	shalt  }
.Lfunc_end0:
.L_simem_size_0:
called_computation_lowered:
.L_overlay_start_0:
0x88: {  	s2 =	sld [smem:$0x3FD9]  }
0x89: {  	s3 =	sld [smem:$0x3FFE];
	_ =	sdelay $0x1  }
0x8a: {  	s1 =	srdreg.scid  }
0x8b: {  	s0 =	sand.u32 $0x1, s1  }
0x8c: {  	s17 =	sshll.u32 s0, $0xA;
	s2 =	sadd.s32 s3, s2  }
0x8d: {  	s2 =	sadd.s32 s2, s17  }
0x8e: {  	[smem:$0x3FC6] =	sst s2  }
0x8f: {  	_ = 	snop  }
0x90: {  	s2 =	sld [smem:$0x3FC8];
	(tm) =	ssettm $0x1  }
0x91: {  	s18 =	sld [smem:$0x3FFB];
	_ =	sdelay $0x3  }
0x92: {  	_ =	strace s18  }
0x93: {  	s3 =	sld [smem:$0x3FFC];
	_ =	sdelay $0x3  }
0x94: {  	_ =	strace s3  }
0x95: {  	s3 =	sld [smem:$0x3FFD];
	_ =	sdelay $0x3  }
0x96: {  	_ =	strace s3  }
0x97: {  	_ =	strace $0x8FFFFFFF  }
0x98: {  	s19 =	sld [smem:$0x3FDB];
	_ =	sdelay $0x1  }
0x99: {  	s4 =	simm.s32 $_scs_section_size  }
0x9a: {  	s5 =	simm.s32 $_size__tile_overlayer_lowered;
	s6 =	simm.s32 $_tile_overlayer_lowered  }
0x9b: {  	s22 =	simm.s32 $0x1BFF;
	s21 =	sshll.u32 s6, $0x1;
	s3 =	sadd.s32 s4, s19  }
0x9c: {  	s7 =	simm.s32 $0x0;
	s20 =	sshll.u32 s5, $0x1;
	s5 =	sadd.s32 s21, s3  }
0x9d: {  	[timem:s7], [sflag:s22] =	dma.local [hbm:s5], s20  }
0x9e: {  	_ =	swait.ge [sflag:s22], s20  }
0x9f: {  	s4 =	ssub.s32 $0x0, s20;
	[sflag:s22] =	ssyncset.done $0x0  }
0xa0: {  	[sflag:s22] =	ssyncadd.s32 s4;
	_ =	sdelay $0x1  }
0xa1: {  	s23 =	simm.s32 $0x1B8B  }
0xa2: {  	_ =	swait.ge [sflag:s23], $0x1  }
0xa3: {  	[sflag:s23] =	ssyncset.done $0x0  }
0xa4: {  	s25 =	simm.s32 $0x1B8E;
	s24 =	sld [smem:$0x3FFE];
	[sflag:s23] =	ssyncadd.s32 $0xFFFFFFFF  }
0xa5: {  	s26 =	simm.s32 $execute0_lowered;
	[smem:$0x3FD2] =	sst s25  }
0xa6: {  	s5 =	sshll.u32 s26, $0x1;
	_ =	strace $0x80000046;
	[dreg:$0x1] =	wrdreg $0xFFFFFFFF  }
0xa7: {  	s28 =	simm.s32 $_size_execute0_lowered;
	s3 =	sadd.s32 s3, s5;
	[dreg:$0x0] =	wrdreg $0x0  }
0xa8: {  	s5 =	sshll.u32 s28, $0x1;
	[dreg:$0x2] =	wrdreg s3  }
0xa9: {  	[dreg:$0x3] =	wrdreg s5  }
0xaa: {  	[dreg:$0x4] =	wrdreg $0xC0  }
0xab: {  	_ =	task [dreg:s7], $0x5FFFF  }
0xac: {  	[dreg:$0x1] =	wrdreg $0xFFFFFFFF  }
0xad: {  	[dreg:$0x0] =	wrdreg $0x60  }
0xae: {  	[dreg:$0x2] =	wrdreg s24  }
0xaf: {  	[dreg:$0x3] =	wrdreg s2  }
0xb0: {  	[dreg:$0x4] =	wrdreg $0x9  }
0xb1: {  	_ =	task.clear_ibuf [dreg:s7], $0x5FFFF;
	_ =	strace $0x90000046  }
0xb2: {  	s29 =	simm.s32 $0x9;
	_ =	strace $0x80000048  }
0xb3: {  	_ =	swait.ge [sflag:s29], $0x1  }
0xb4: {  	[sflag:s29] =	ssyncadd.s32 $0xFFFFFFFF  }
0xb5: {  	_ =	strace $0x90000048  }
0xb6: {  	_ =	sfence  }
0xb7: {  	s30 =	sld [smem:$0x0];
	_ =	sdelay $0x2  }
0xb8: {  	s31 =	sshll.u32 s1, $0xD;
	s1 =	sshrl.u32 s1, $0x2  }
0xb9: {  	s3 =	sand.u32 $0x4000, s31;
	s1 =	sadd.s32 s1, s30  }
0xba: {  	s0 =	sor.u32 s3, s0;
	s1 =	sshll.u32 s1, $0x11  }
0xbb: {  	s0 =	sor.u32 s1, s0  }
0xbc: {  	s0 =	sadd.s32 $0x8F2B, s0  }
0xbd: {  	[sflag:s0] =	ssyncadd.remote.s32 $0x1  }
0xbe: {  	_ =	sfence.sel $0xFFFF  }
0xbf: {  	[dreg:$0x0] =	wrdreg $0xFFFFFFFF;
	(pc) =	sbr.abs _section_cstart, $3  }
0xc0: {  	[dreg:$0x1] =	wrdreg $0xFFFFFFFF  }
0xc1: {  	_ =	task.clear_ibuf [dreg:s7], $0x2FFFF;
	_ =	strace $0x9FFFFFFF  }
0xc2: {  	(tm) =	ssettm $0x7FFFFFFF  }
0xc3: {  	_ =	shalt  }
tec
execute0_lowered:
.L_overlay_start_1:
0x0: {  	(tag) =	ssettag $0x1  }
0x1: {  	s1 =	srdreg.scid  }
0x2: {  	s10 =	rddreg [dreg:$0x0];
	s0 =	stileid.u32;
	s6 =	sand.u32 $0x1, s1  }
0x3: {  	s3 =	rddreg [dreg:$0x1];
	s4 =	sshll.u32 s0, $0x6;
	s5 =	sshll.u32 s6, $0x5  }
0x4: {  	s2 =	simm.s32 $0x0;
	s1 =	rddreg [dreg:$0x2];
	s5 =	sor.u32 s5, s4  }
0x5: {  	[smem:$0x7FF] =	sst s2;
	s11 =	sshrl.u32 s5, $0x3  }
0x6: {  	_ =	strace $0x80000047;
	s4 =	sadd.s32 s3, s11;
	s3 =	simm.s32 $0x2  }
0x7: {  	[tilespmem:s2], [sflag:$0x2] =	stream.linear.gather [hbm4b:s4+s2], $0x20, $0x38;
	[tilespmem:$0x180] =	vst v63  }
0x8: {  	_ =	swait.ge [sflag:s3], $0x20  }
0x9: {  	[sflag:s3] =	ssyncset.done $0x0  }
0xa: {  	v0 =	vmov s5;
	s5 =	sor.u32 $0x10, s5;
	[sflag:s3] =	ssyncadd.s32 $0xFFFFFFE0  }
0xb: {  	v0 =	vmul.u32 $0x186A0, v0;
	v1 =	vmov s5;
	v2 =	vld [tilespmem:$0x0]  }
0xc: {  	v3 =	vlaneseq.u32;
	v1 =	vmul.u32 $0x186A0, v1;
	v4 =	vld [tilespmem:$0x10]  }
0xd: {  	v3 =	vmul.u32 $0x186A0, v3;
	v0 =	vbroadcast v0, $0x0  }
0xe: {  	s12 =	ssub.s32 $0x2, s6;
	v1 =	vbroadcast v1, $0x0  }
0xf: {  	s13 =	sshrl.u32 s12, $0x1;
	v0 =	vadd.s32 v3, v0  }
0x10: {  	s7 =	simm.s32 $0x80;
	s8 =	simm.s32 $0x100;
	s31 =	ssub.s32 s12, s13;
	v1 =	vadd.s32 v3, v1;
	v2 =	vadd.s32 v2, v0  }
0x11: {  	s5 =	sadd.s32 $0xC38800, s10;
	s10 =	sadd.s32 s11, s10;
	s11 =	smax.u32 s31, $0x1;
	[tilespmem:$0x80] =	vst v2;
	v2 =	vadd.s32 v4, v1  }
0x12: {  	s9 =	simm.s32 $0x1;
	s6 =	simm.s32 $0x20;
	p0 =	sne.s32 s11, $0x1;
	[tilespmem:$0x90] =	vst v2  }
0x13: {  	[tilespmem:s8], [sflag:$0x1] =	stream.indirect.gather [hbm4b:s5+s6], $0x1, s7, s6, $0xb8;
	[tilespmem:$0x180] =	vst v63  }
.Ltmp0:
0x14: {  	_ =	swait.ge [sflag:s9], $0x20;
	(pc) =	sbr.rel @!p0 .LBB2_2-.Ltmp0, $4  }
0x15: {  	[sflag:s9] =	ssyncset.done $0x0  }
0x16: {  	s10 =	sadd.s32 $0x186D800, s10;
	[sflag:s9] =	ssyncadd.s32 $0xFFFFFFE0  }
0x17: {  	[hbm4b:s10+s2] =	stream.linear.scatter [tilespmem:s8], [sflag:$0x2], $0x20, $0x38;
	[tilespmem:$0x180] =	vst v63  }
0x18: {  	s11 =	sadd.s32 $0xFFFFFFFF, s11;
	_ =	swait.ge [sflag:s3], $0x20  }
.LBB2_1:
0x19: {  	p0 =	sne.s32 s11, $0x1;
	s11 =	sadd.s32 $0xFFFFFFFF, s11;
	[sflag:s3] =	ssyncset.done $0x0  }
0x1a: {  	[sflag:s3] =	ssyncadd.s32 $0xFFFFFFE0  }
0x1b: {  	[tilespmem:s2], [sflag:$0x2] =	stream.linear.gather [hbm4b:s4+s2], $0x20, $0x38;
	[tilespmem:$0x180] =	vst v63  }
0x1c: {  	_ =	swait.ge [sflag:s3], $0x20  }
0x1d: {  	[sflag:s3] =	ssyncset.done $0x0  }
0x1e: {  	[sflag:s3] =	ssyncadd.s32 $0xFFFFFFE0  }
0x1f: {  	v2 =	vld [tilespmem:$0x0]  }
0x20: {  	v3 =	vld [tilespmem:$0x10];
	_ =	sdelay $0x3  }
0x21: {  	v2 =	vadd.s32 v2, v0  }
0x22: {  	[tilespmem:$0x80] =	vst v2;
	v2 =	vadd.s32 v3, v1  }
0x23: {  	[tilespmem:$0x90] =	vst v2  }
0x24: {  	[tilespmem:s8], [sflag:$0x1] =	stream.indirect.gather [hbm4b:s5+s6], $0x1, s7, s6, $0xb8;
	[tilespmem:$0x180] =	vst v63  }
.Ltmp1:
0x25: {  	_ =	swait.ge [sflag:s9], $0x20;
	(pc) =	sbr.rel @p0 .LBB2_1-.Ltmp1, $4  }
0x26: {  	[sflag:s9] =	ssyncset.done $0x0  }
0x27: {  	[sflag:s9] =	ssyncadd.s32 $0xFFFFFFE0  }
0x28: {  	[hbm4b:s10+s2] =	stream.linear.scatter [tilespmem:s8], [sflag:$0x2], $0x20, $0x38;
	[tilespmem:$0x180] =	vst v63  }
0x29: {  	_ =	swait.ge [sflag:s3], $0x20  }
.LBB2_2:
0x2a: {  	[sflag:s3] =	ssyncset.done $0x0  }
0x2b: {  	[sflag:s3] =	ssyncadd.s32 $0xFFFFFFE0  }
0x2c: {  	_ =	sfence.sel $0x180000  }
0x2d: {  	[bflag:$0x0] =	sbarrier.arrive $0xFFFF  }
0x2e: {  	p0 =	sne.s32 s0, $0x0;
	_ =	strace $0x90000047  }
0x2f: {  	s0 =	sadd.s32 @!p0 $0x100000, s1;
	[bflag:$0x2] =	sbarrier.arrive $0xFFFF  }
0x30: {  	[sflag:s0] =	ssyncadd.tile.s32 @!p0 $0x1;
	_ =	shalt  }
.Lfunc_end2:
_tile_overlayer_lowered:
.L_overlay_start_2:
0x31: {  	(tag) =	ssettag $0x2  }
0x32: {  	s0 =	rddreg [dreg:$0x0];
	s2 =	stileid.u32  }
0x33: {  	s1 =	rddreg [dreg:$0x1];
	p0 =	sne.s32 s2, $0x0  }
0x34: {  	s3 =	rddreg [dreg:$0x2];
	[bflag:$0x3] =	sbarrier.arrive $0xFFFF;
	s2 =	simm.s32 @!p0 $0x1C02  }
0x35: {  	[timem:s3], [sflag:s2] =	dma.local @!p0 [hbm:s0], s1  }
0x36: {  	s0 =	simm.s32 @!p0 $0x2  }
0x37: {  	_ =	swait.ge @!p0 [sflag:s0], s1  }
0x38: {  	s1 =	ssub.s32 @!p0 $0x0, s1;
	[sflag:s0] =	ssyncset.done @!p0 $0x0  }
0x39: {  	[sflag:s0] =	ssyncadd.s32 @!p0 s1  }
0x3a: {  	[bflag:$0x3] =	sbarrier.arrive $0xFFFF  }
0x3b: {  	_ =	shalt  }

</sc_bundles>
